<compile_context>
chip_gen: v7x
topology: tpu7x:2x2x1
jax: 0.10.2.dev20260603
libtpu: 0.0.44.dev20260713+nightly
codegen_flags: <defaults>
</compile_context>

<pallas_src>
import functools

import jax
import jax.numpy as jnp
from jax.experimental import pallas as pl
from jax.experimental.pallas import tpu as pltpu
from jax.experimental.pallas import tpu_sc as plsc

_EMBED = 512
_N = 16384
_NW = 16
_CHUNK = _N // _NW


@functools.partial(
    pl.kernel,
    mesh=plsc.VectorSubcoreMesh(core_axis_name="c", subcore_axis_name="s", num_cores=1),
    out_type=jax.ShapeDtypeStruct((_NW, 4 * 128), jnp.float32),
    scratch_types=[
        pltpu.VMEM((4, _CHUNK), jnp.int32),
        pltpu.VMEM((4 * 128,), jnp.float32),
        pltpu.SemaphoreType.DMA,
        pltpu.SemaphoreType.DMA,
        pltpu.SemaphoreType.DMA,
        pltpu.SemaphoreType.DMA,
    ],
    compiler_params=pltpu.CompilerParams(needs_layout_passes=False),
)
def _sc_hist(pitch_hbm, vel_hbm, prog_hbm, drum_hbm, out_hbm, idx_v, hist_v,
             sem0, sem1, sem2, sem3):
    wid = jax.lax.axis_index("s") * 1 + jax.lax.axis_index("c")
    base = wid * _CHUNK
    sems = (sem0, sem1, sem2, sem3)
    copies = [
        pltpu.async_copy(src.at[pl.ds(base, _CHUNK)], idx_v.at[t], sems[t])
        for t, src in enumerate((pitch_hbm, vel_hbm, prog_hbm, drum_hbm))
    ]
    zeros16 = jnp.zeros((16,), jnp.float32)
    ones16 = jnp.ones((16,), jnp.float32)

    def zero_blk(blk, _):
        hist_v[pl.ds(blk * 16, 16)] = zeros16
        return 0

    jax.lax.fori_loop(0, 4 * 128 // 16, zero_blk, 0)
    for c in copies:
        c.wait()
    off1 = jnp.full((16,), 128, jnp.int32)
    off2 = jnp.full((16,), 256, jnp.int32)

    def body(k, acc):
        for u in range(4):
            sl = pl.ds(k * 64 + u * 16, 16)
            plsc.addupdate_scatter(hist_v, [idx_v[0, sl]], ones16)
            plsc.addupdate_scatter(hist_v, [idx_v[1, sl] + off1], ones16)
            plsc.addupdate_scatter(hist_v, [idx_v[2, sl] + off2], ones16)
            acc = acc + idx_v[3, sl]
        return acc

    acc = jax.lax.fori_loop(0, _CHUNK // 64, body,
                            jnp.zeros((16,), jnp.int32))
    ones_cnt = jnp.sum(acc).astype(jnp.float32)
    lane = jax.lax.iota(jnp.int32, 16)
    drum_vec = jnp.where(lane == 0, _CHUNK - ones_cnt,
                         jnp.where(lane == 1, ones_cnt, 0.0))
    hist_v[pl.ds(384, 16)] = drum_vec
    pltpu.sync_copy(hist_v, out_hbm.at[wid])


def _combine_body(cnt_ref, cont_ref, wp_ref, wv_ref, wg_ref, wd_ref, out_ref):
    f32 = jnp.float32
    cnt = jnp.sum(cnt_ref[...], axis=0, keepdims=True)

    def bag(counts, w):
        return jax.lax.dot_general(
            counts, w, (((1,), (0,)), ((), ())),
            precision=jax.lax.Precision.HIGHEST,
            preferred_element_type=f32)

    pitch_bag = bag(cnt[:, 0:128], wp_ref[...])
    vel_bag = bag(cnt[:, 128:256], wv_ref[...])
    prog_bag = bag(cnt[:, 256:384], wg_ref[...])
    drum_bag = bag(cnt[:, 384:386], wd_ref[...])

    i2 = jax.lax.broadcasted_iota(jnp.int32, (1, 256), 1).astype(f32)
    freqs = jnp.exp((2.0 * i2 / _EMBED) * jnp.log(10000.0).astype(f32))
    t0 = cont_ref[0, 0] * freqs
    t1 = cont_ref[0, 1] * freqs
    time0 = jnp.concatenate([jnp.sin(t0), jnp.cos(t0)], axis=1)
    time1 = jnp.concatenate([jnp.sin(t1), jnp.cos(t1)], axis=1)

    out_ref[:, 0:512] = drum_bag
    out_ref[:, 512:1024] = time0
    out_ref[:, 1024:1536] = time1
    out_ref[:, 1536:2048] = prog_bag
    out_ref[:, 2048:2560] = pitch_bag
    out_ref[:, 2560:3072] = vel_bag


def kernel(pitch_indices, velocity_indices, program_indices,
           continuous_features, drum_indices,
           W_pitch, W_velocity, W_program, W_drum):
    partial_counts = _sc_hist(pitch_indices, velocity_indices,
                              program_indices, drum_indices)
    cont = continuous_features.reshape(1, 2)
    out = pl.pallas_call(
        _combine_body,
        out_shape=jax.ShapeDtypeStruct((1, 6 * _EMBED), jnp.float32),
    )(partial_counts, cont, W_pitch, W_velocity, W_program, W_drum)
    return out

# --- scband reference (transcript-rebuilt; emitter-appended) ---
"""Pipeline reference for scband-music-embedding-66142496358864 (READ-ONLY COPY).

The authoritative reference and input builder live on the scoring server;
editing this copy changes nothing except your own understanding.
"""

import jax, jax.numpy as jnp
import numpy as np

EMBED_DIM = 512
N = 16384

def setup_inputs(seed: int = 0) -> dict:
    key = jax.random.key(seed)
    ks = jax.random.split(key, 9)
    return {
        "pitch_indices": jax.random.randint(ks[0], (N,), 0, 128, dtype=jnp.int32),
        "velocity_indices": jax.random.randint(ks[1], (N,), 0, 128, dtype=jnp.int32),
        "program_indices": jax.random.randint(ks[2], (N,), 0, 128, dtype=jnp.int32),
        "continuous_features": jax.random.uniform(ks[3], (2,), dtype=jnp.float32),
        "drum_indices": jax.random.randint(ks[4], (N,), 0, 2, dtype=jnp.int32),
        "W_pitch": jax.random.normal(ks[5], (128, EMBED_DIM), dtype=jnp.float32),
        "W_velocity": jax.random.normal(ks[6], (128, EMBED_DIM), dtype=jnp.float32),
        "W_program": jax.random.normal(ks[7], (128, EMBED_DIM), dtype=jnp.float32),
        "W_drum": jax.random.normal(ks[8], (2, EMBED_DIM), dtype=jnp.float32),
    }

def _temporal_positional_encoding(continuous_features, embedding_dim):
    freqs = 10000.0 ** (jnp.arange(0, embedding_dim, 2, dtype=jnp.float32) / embedding_dim)
    time = continuous_features[:, None] * freqs[None, :]
    return jnp.concatenate((jnp.sin(time), jnp.cos(time)), axis=-1)

def reference(pitch_indices, velocity_indices, program_indices, continuous_features, drum_indices, W_pitch, W_velocity, W_program, W_drum):
    # nn.EmbeddingBag(mode='sum') on indices.unsqueeze(0): gather rows then sum over the bag -> [1, D]
    pitch_embeddings = jnp.sum(jnp.take(W_pitch, pitch_indices, axis=0), axis=0, keepdims=True)
    velocity_embeddings = jnp.sum(jnp.take(W_velocity, velocity_indices, axis=0), axis=0, keepdims=True)
    program_embeddings = jnp.sum(jnp.take(W_program, program_indices, axis=0), axis=0, keepdims=True)
    drum_embeddings = jnp.sum(jnp.take(W_drum, drum_indices, axis=0), axis=0, keepdims=True)
    time_embeddings = _temporal_positional_encoding(continuous_features, EMBED_DIM)
    combined = jnp.concatenate([
        drum_embeddings,
        time_embeddings[0].reshape(1, -1),
        time_embeddings[1].reshape(1, -1),
        program_embeddings,
        pitch_embeddings,
        velocity_embeddings,
    ], axis=-1)
    return combined

if __name__ == "__main__":
    import jax
    _d = setup_inputs()
    print(jax.jit(kernel)(*tuple(_d.values())))

</pallas_src>

<mosaic_0001>
#map = affine_map<(d0, d1) -> (0)>
#map1 = affine_map<(d0, d1) -> (0, 0)>
module attributes {stable_mosaic.version = 14 : i64} {
  func.func @_sc_hist(%arg0: i32, %arg1: i32, %arg2: memref<16384xi32, #tpu.memory_space<hbm>>, %arg3: memref<16384xi32, #tpu.memory_space<hbm>>, %arg4: memref<16384xi32, #tpu.memory_space<hbm>>, %arg5: memref<16384xi32, #tpu.memory_space<hbm>>, %arg6: memref<16x512xf32, #tpu.memory_space<hbm>>, %arg7: memref<4x1024xi32, #tpu.memory_space<vmem>>, %arg8: memref<512xf32, #tpu.memory_space<vmem>>, %arg9: memref<!tpu.dma_semaphore, #tpu.memory_space<semaphore_mem>>, %arg10: memref<!tpu.dma_semaphore, #tpu.memory_space<semaphore_mem>>, %arg11: memref<!tpu.dma_semaphore, #tpu.memory_space<semaphore_mem>>, %arg12: memref<!tpu.dma_semaphore, #tpu.memory_space<semaphore_mem>>) attributes {dimension_semantics = [#tpu.dimension_semantics<core_parallel>, #tpu.dimension_semantics<subcore_parallel>], iteration_bounds = array<i64: 1, 16>, scalar_prefetch = 0 : i64, scratch_operands = 6 : i64, tpu.core_type = #tpu.core_type<sc_vector_subcore>, window_params = [{transform_indices = #map}, {transform_indices = #map}, {transform_indices = #map}, {transform_indices = #map}, {transform_indices = #map1}]} {
    %mul3A = arith.constant 1 : i32
    %mul3A_0 = arith.muli %arg1, %mul3A : i32
    %add3A = arith.addi %mul3A_0, %arg0 : i32
    %mul3A_1 = arith.constant 1024 : i32
    %mul3A_2 = arith.muli %add3A, %mul3A_1 : i32
    %dma_start3A = arith.constant 0 : i32
    %dma_start3A_3 = arith.constant 0 : i32
    %dma_start3A_4 = tpu.memref_slice %arg7[%dma_start3A, %dma_start3A_3] : memref<4x1024xi32, #tpu.memory_space<vmem>> -> memref<1x1024xi32, #tpu.memory_space<vmem>>
    %dma_start3A_5 = tpu.memref_squeeze %dma_start3A_4 : memref<1x1024xi32, #tpu.memory_space<vmem>> -> memref<1024xi32, #tpu.memory_space<vmem>>
    %dma_start3A_6 = tpu.memref_slice %arg2[%mul3A_2] : memref<16384xi32, #tpu.memory_space<hbm>> -> memref<1024xi32, #tpu.memory_space<hbm>>
    %dma_start3A_7 = arith.constant 0 : i32
    %dma_start3A_8 = tpu.memref_slice %arg7[%dma_start3A, %dma_start3A_7] : memref<4x1024xi32, #tpu.memory_space<vmem>> -> memref<1x1024xi32, #tpu.memory_space<vmem>>
    %dma_start3A_9 = tpu.memref_squeeze %dma_start3A_8 : memref<1x1024xi32, #tpu.memory_space<vmem>> -> memref<1024xi32, #tpu.memory_space<vmem>>
    %dma_start3A_10 = tpu.memref_slice %arg2[%mul3A_2] : memref<16384xi32, #tpu.memory_space<hbm>> -> memref<1024xi32, #tpu.memory_space<hbm>>
    tpu.enqueue_dma source(%dma_start3A_10 : memref<1024xi32, #tpu.memory_space<hbm>>) target(%dma_start3A_9 : memref<1024xi32, #tpu.memory_space<vmem>>) target_semaphore(%arg9 : memref<!tpu.dma_semaphore, #tpu.memory_space<semaphore_mem>>)
    %dma_start3A_11 = arith.constant 1 : i32
    %dma_start3A_12 = arith.constant 0 : i32
    %dma_start3A_13 = tpu.memref_slice %arg7[%dma_start3A_11, %dma_start3A_12] : memref<4x1024xi32, #tpu.memory_space<vmem>> -> memref<1x1024xi32, #tpu.memory_space<vmem>>
    %dma_start3A_14 = tpu.memref_squeeze %dma_start3A_13 : memref<1x1024xi32, #tpu.memory_space<vmem>> -> memref<1024xi32, #tpu.memory_space<vmem>>
    %dma_start3A_15 = tpu.memref_slice %arg3[%mul3A_2] : memref<16384xi32, #tpu.memory_space<hbm>> -> memref<1024xi32, #tpu.memory_space<hbm>>
    %dma_start3A_16 = arith.constant 0 : i32
    %dma_start3A_17 = tpu.memref_slice %arg7[%dma_start3A_11, %dma_start3A_16] : memref<4x1024xi32, #tpu.memory_space<vmem>> -> memref<1x1024xi32, #tpu.memory_space<vmem>>
    %dma_start3A_18 = tpu.memref_squeeze %dma_start3A_17 : memref<1x1024xi32, #tpu.memory_space<vmem>> -> memref<1024xi32, #tpu.memory_space<vmem>>
    %dma_start3A_19 = tpu.memref_slice %arg3[%mul3A_2] : memref<16384xi32, #tpu.memory_space<hbm>> -> memref<1024xi32, #tpu.memory_space<hbm>>
    tpu.enqueue_dma source(%dma_start3A_19 : memref<1024xi32, #tpu.memory_space<hbm>>) target(%dma_start3A_18 : memref<1024xi32, #tpu.memory_space<vmem>>) target_semaphore(%arg10 : memref<!tpu.dma_semaphore, #tpu.memory_space<semaphore_mem>>)
    %dma_start3A_20 = arith.constant 2 : i32
    %dma_start3A_21 = arith.constant 0 : i32
    %dma_start3A_22 = tpu.memref_slice %arg7[%dma_start3A_20, %dma_start3A_21] : memref<4x1024xi32, #tpu.memory_space<vmem>> -> memref<1x1024xi32, #tpu.memory_space<vmem>>
    %dma_start3A_23 = tpu.memref_squeeze %dma_start3A_22 : memref<1x1024xi32, #tpu.memory_space<vmem>> -> memref<1024xi32, #tpu.memory_space<vmem>>
    %dma_start3A_24 = tpu.memref_slice %arg4[%mul3A_2] : memref<16384xi32, #tpu.memory_space<hbm>> -> memref<1024xi32, #tpu.memory_space<hbm>>
    %dma_start3A_25 = arith.constant 0 : i32
    %dma_start3A_26 = tpu.memref_slice %arg7[%dma_start3A_20, %dma_start3A_25] : memref<4x1024xi32, #tpu.memory_space<vmem>> -> memref<1x1024xi32, #tpu.memory_space<vmem>>
    %dma_start3A_27 = tpu.memref_squeeze %dma_start3A_26 : memref<1x1024xi32, #tpu.memory_space<vmem>> -> memref<1024xi32, #tpu.memory_space<vmem>>
    %dma_start3A_28 = tpu.memref_slice %arg4[%mul3A_2] : memref<16384xi32, #tpu.memory_space<hbm>> -> memref<1024xi32, #tpu.memory_space<hbm>>
    tpu.enqueue_dma source(%dma_start3A_28 : memref<1024xi32, #tpu.memory_space<hbm>>) target(%dma_start3A_27 : memref<1024xi32, #tpu.memory_space<vmem>>) target_semaphore(%arg11 : memref<!tpu.dma_semaphore, #tpu.memory_space<semaphore_mem>>)
    %dma_start3A_29 = arith.constant 3 : i32
    %dma_start3A_30 = arith.constant 0 : i32
    %dma_start3A_31 = tpu.memref_slice %arg7[%dma_start3A_29, %dma_start3A_30] : memref<4x1024xi32, #tpu.memory_space<vmem>> -> memref<1x1024xi32, #tpu.memory_space<vmem>>
    %dma_start3A_32 = tpu.memref_squeeze %dma_start3A_31 : memref<1x1024xi32, #tpu.memory_space<vmem>> -> memref<1024xi32, #tpu.memory_space<vmem>>
    %dma_start3A_33 = tpu.memref_slice %arg5[%mul3A_2] : memref<16384xi32, #tpu.memory_space<hbm>> -> memref<1024xi32, #tpu.memory_space<hbm>>
    %dma_start3A_34 = arith.constant 0 : i32
    %dma_start3A_35 = tpu.memref_slice %arg7[%dma_start3A_29, %dma_start3A_34] : memref<4x1024xi32, #tpu.memory_space<vmem>> -> memref<1x1024xi32, #tpu.memory_space<vmem>>
    %dma_start3A_36 = tpu.memref_squeeze %dma_start3A_35 : memref<1x1024xi32, #tpu.memory_space<vmem>> -> memref<1024xi32, #tpu.memory_space<vmem>>
    %dma_start3A_37 = tpu.memref_slice %arg5[%mul3A_2] : memref<16384xi32, #tpu.memory_space<hbm>> -> memref<1024xi32, #tpu.memory_space<hbm>>
    tpu.enqueue_dma source(%dma_start3A_37 : memref<1024xi32, #tpu.memory_space<hbm>>) target(%dma_start3A_36 : memref<1024xi32, #tpu.memory_space<vmem>>) target_semaphore(%arg12 : memref<!tpu.dma_semaphore, #tpu.memory_space<semaphore_mem>>)
    %broadcast_in_dim3A = arith.constant 0.000000e+00 : f32
    %broadcast_in_dim3A_38 = vector.broadcast %broadcast_in_dim3A : f32 to vector<16xf32>
    %broadcast_in_dim3A_39 = arith.constant 1.000000e+00 : f32
    %broadcast_in_dim3A_40 = vector.broadcast %broadcast_in_dim3A_39 : f32 to vector<16xf32>
    %scan3A = arith.constant 0 : i32
    %scan3A_41 = arith.constant 0 : i32
    %scan3A_42 = arith.constant 32 : i32
    %scan3A_43 = arith.addi %scan3A_41, %scan3A_42 : i32
    %scan3A_44 = arith.constant 1 : i32
    %scan3A_45 = scf.for %scan3A_108 = %scan3A_41 to %scan3A_43 step %scan3A_44 iter_args(%scan3A_109 = %scan3A) -> (i32)  : i32 {
      %mul3A_110 = arith.constant 16 : i32
      %mul3A_111 = arith.muli %scan3A_108, %mul3A_110 : i32
      %swap3A_112 = arith.index_cast %mul3A_111 : i32 to index
      %swap3A_113 = tpu.vector_load %arg8[%swap3A_112] {strides = array<i32>} : memref<512xf32, #tpu.memory_space<vmem>>, vector<16xf32>,
      tpu.vector_store %arg8[%swap3A_112], %broadcast_in_dim3A_38 {strides = array<i32>} : memref<512xf32, #tpu.memory_space<vmem>>, vector<16xf32>,
      %scan3A_114 = arith.constant 0 : i32
      scf.yield %scan3A_114 : i32
    }
    %scan3A_46 = arith.constant 32 : i32
    %dma_wait3A = arith.constant 0 : i32
    %dma_wait3A_47 = arith.constant 0 : i32
    %dma_wait3A_48 = tpu.memref_slice %arg7[%dma_wait3A, %dma_wait3A_47] : memref<4x1024xi32, #tpu.memory_space<vmem>> -> memref<1x1024xi32, #tpu.memory_space<vmem>>
    %dma_wait3A_49 = tpu.memref_squeeze %dma_wait3A_48 : memref<1x1024xi32, #tpu.memory_space<vmem>> -> memref<1024xi32, #tpu.memory_space<vmem>>
    %dma_wait3A_50 = tpu.memref_slice %arg2[%mul3A_2] : memref<16384xi32, #tpu.memory_space<hbm>> -> memref<1024xi32, #tpu.memory_space<hbm>>
    %dma_wait3A_51 = arith.constant 0 : i32
    %dma_wait3A_52 = tpu.memref_slice %arg7[%dma_wait3A, %dma_wait3A_51] : memref<4x1024xi32, #tpu.memory_space<vmem>> -> memref<1x1024xi32, #tpu.memory_space<vmem>>
    %dma_wait3A_53 = tpu.memref_squeeze %dma_wait3A_52 : memref<1x1024xi32, #tpu.memory_space<vmem>> -> memref<1024xi32, #tpu.memory_space<vmem>>
    %dma_wait3A_54 = tpu.memref_slice %arg2[%mul3A_2] : memref<16384xi32, #tpu.memory_space<hbm>> -> memref<1024xi32, #tpu.memory_space<hbm>>
    tpu.wait_dma2 semaphore(%arg9 : memref<!tpu.dma_semaphore, #tpu.memory_space<semaphore_mem>>) src(%dma_wait3A_54 : memref<1024xi32, #tpu.memory_space<hbm>>) dst(%dma_wait3A_53 : memref<1024xi32, #tpu.memory_space<vmem>>)
    %dma_wait3A_55 = arith.constant 1 : i32
    %dma_wait3A_56 = arith.constant 0 : i32
    %dma_wait3A_57 = tpu.memref_slice %arg7[%dma_wait3A_55, %dma_wait3A_56] : memref<4x1024xi32, #tpu.memory_space<vmem>> -> memref<1x1024xi32, #tpu.memory_space<vmem>>
    %dma_wait3A_58 = tpu.memref_squeeze %dma_wait3A_57 : memref<1x1024xi32, #tpu.memory_space<vmem>> -> memref<1024xi32, #tpu.memory_space<vmem>>
    %dma_wait3A_59 = tpu.memref_slice %arg3[%mul3A_2] : memref<16384xi32, #tpu.memory_space<hbm>> -> memref<1024xi32, #tpu.memory_space<hbm>>
    %dma_wait3A_60 = arith.constant 0 : i32
    %dma_wait3A_61 = tpu.memref_slice %arg7[%dma_wait3A_55, %dma_wait3A_60] : memref<4x1024xi32, #tpu.memory_space<vmem>> -> memref<1x1024xi32, #tpu.memory_space<vmem>>
    %dma_wait3A_62 = tpu.memref_squeeze %dma_wait3A_61 : memref<1x1024xi32, #tpu.memory_space<vmem>> -> memref<1024xi32, #tpu.memory_space<vmem>>
    %dma_wait3A_63 = tpu.memref_slice %arg3[%mul3A_2] : memref<16384xi32, #tpu.memory_space<hbm>> -> memref<1024xi32, #tpu.memory_space<hbm>>
    tpu.wait_dma2 semaphore(%arg10 : memref<!tpu.dma_semaphore, #tpu.memory_space<semaphore_mem>>) src(%dma_wait3A_63 : memref<1024xi32, #tpu.memory_space<hbm>>) dst(%dma_wait3A_62 : memref<1024xi32, #tpu.memory_space<vmem>>)
    %dma_wait3A_64 = arith.constant 2 : i32
    %dma_wait3A_65 = arith.constant 0 : i32
    %dma_wait3A_66 = tpu.memref_slice %arg7[%dma_wait3A_64, %dma_wait3A_65] : memref<4x1024xi32, #tpu.memory_space<vmem>> -> memref<1x1024xi32, #tpu.memory_space<vmem>>
    %dma_wait3A_67 = tpu.memref_squeeze %dma_wait3A_66 : memref<1x1024xi32, #tpu.memory_space<vmem>> -> memref<1024xi32, #tpu.memory_space<vmem>>
    %dma_wait3A_68 = tpu.memref_slice %arg4[%mul3A_2] : memref<16384xi32, #tpu.memory_space<hbm>> -> memref<1024xi32, #tpu.memory_space<hbm>>
    %dma_wait3A_69 = arith.constant 0 : i32
    %dma_wait3A_70 = tpu.memref_slice %arg7[%dma_wait3A_64, %dma_wait3A_69] : memref<4x1024xi32, #tpu.memory_space<vmem>> -> memref<1x1024xi32, #tpu.memory_space<vmem>>
    %dma_wait3A_71 = tpu.memref_squeeze %dma_wait3A_70 : memref<1x1024xi32, #tpu.memory_space<vmem>> -> memref<1024xi32, #tpu.memory_space<vmem>>
    %dma_wait3A_72 = tpu.memref_slice %arg4[%mul3A_2] : memref<16384xi32, #tpu.memory_space<hbm>> -> memref<1024xi32, #tpu.memory_space<hbm>>
    tpu.wait_dma2 semaphore(%arg11 : memref<!tpu.dma_semaphore, #tpu.memory_space<semaphore_mem>>) src(%dma_wait3A_72 : memref<1024xi32, #tpu.memory_space<hbm>>) dst(%dma_wait3A_71 : memref<1024xi32, #tpu.memory_space<vmem>>)
    %dma_wait3A_73 = arith.constant 3 : i32
    %dma_wait3A_74 = arith.constant 0 : i32
    %dma_wait3A_75 = tpu.memref_slice %arg7[%dma_wait3A_73, %dma_wait3A_74] : memref<4x1024xi32, #tpu.memory_space<vmem>> -> memref<1x1024xi32, #tpu.memory_space<vmem>>
    %dma_wait3A_76 = tpu.memref_squeeze %dma_wait3A_75 : memref<1x1024xi32, #tpu.memory_space<vmem>> -> memref<1024xi32, #tpu.memory_space<vmem>>
    %dma_wait3A_77 = tpu.memref_slice %arg5[%mul3A_2] : memref<16384xi32, #tpu.memory_space<hbm>> -> memref<1024xi32, #tpu.memory_space<hbm>>
    %dma_wait3A_78 = arith.constant 0 : i32
    %dma_wait3A_79 = tpu.memref_slice %arg7[%dma_wait3A_73, %dma_wait3A_78] : memref<4x1024xi32, #tpu.memory_space<vmem>> -> memref<1x1024xi32, #tpu.memory_space<vmem>>
    %dma_wait3A_80 = tpu.memref_squeeze %dma_wait3A_79 : memref<1x1024xi32, #tpu.memory_space<vmem>> -> memref<1024xi32, #tpu.memory_space<vmem>>
    %dma_wait3A_81 = tpu.memref_slice %arg5[%mul3A_2] : memref<16384xi32, #tpu.memory_space<hbm>> -> memref<1024xi32, #tpu.memory_space<hbm>>
    tpu.wait_dma2 semaphore(%arg12 : memref<!tpu.dma_semaphore, #tpu.memory_space<semaphore_mem>>) src(%dma_wait3A_81 : memref<1024xi32, #tpu.memory_space<hbm>>) dst(%dma_wait3A_80 : memref<1024xi32, #tpu.memory_space<vmem>>)
    %broadcast_in_dim3A_82 = arith.constant 128 : i32
    %broadcast_in_dim3A_83 = vector.broadcast %broadcast_in_dim3A_82 : i32 to vector<16xi32>
    %broadcast_in_dim3A_84 = arith.constant 256 : i32
    %broadcast_in_dim3A_85 = vector.broadcast %broadcast_in_dim3A_84 : i32 to vector<16xi32>
    %broadcast_in_dim3A_86 = arith.constant 0 : i32
    %broadcast_in_dim3A_87 = vector.broadcast %broadcast_in_dim3A_86 : i32 to vector<16xi32>
    %scan3A_88 = arith.constant 0 : i32
    %scan3A_89 = arith.constant 16 : i32
    %scan3A_90 = arith.addi %scan3A_88, %scan3A_89 : i32
    %scan3A_91 = arith.constant 1 : i32
    %scan3A_92 = scf.for %scan3A_108 = %scan3A_88 to %scan3A_90 step %scan3A_91 iter_args(%scan3A_109 = %broadcast_in_dim3A_87) -> (vector<16xi32>)  : i32 {
      %mul3A_110 = arith.constant 64 : i32
      %mul3A_111 = arith.muli %scan3A_108, %mul3A_110 : i32
      %add3A_112 = arith.constant 0 : i32
      %add3A_113 = arith.addi %mul3A_111, %add3A_112 : i32
      %get3A = arith.constant 0 : i32
      %get3A_114 = arith.index_cast %get3A : i32 to index
      %get3A_115 = arith.index_cast %add3A_113 : i32 to index
      %get3A_116 = tpu.vector_load %arg7[%get3A_114, %get3A_115] {strides = array<i32>} : memref<4x1024xi32, #tpu.memory_space<vmem>>, vector<16xi32>,
      tpu.vector_store_idx %arg8[%get3A_116], %broadcast_in_dim3A_40 {add = true} : memref<512xf32, #tpu.memory_space<vmem>>[vector<16xi32>], vector<16xf32>,
      %get3A_117 = arith.constant 1 : i32
      %get3A_118 = arith.index_cast %get3A_117 : i32 to index
      %get3A_119 = arith.index_cast %add3A_113 : i32 to index
      %get3A_120 = tpu.vector_load %arg7[%get3A_118, %get3A_119] {strides = array<i32>} : memref<4x1024xi32, #tpu.memory_space<vmem>>, vector<16xi32>,
      %add3A_121 = arith.addi %get3A_120, %broadcast_in_dim3A_83 : vector<16xi32>
      tpu.vector_store_idx %arg8[%add3A_121], %broadcast_in_dim3A_40 {add = true} : memref<512xf32, #tpu.memory_space<vmem>>[vector<16xi32>], vector<16xf32>,
      %get3A_122 = arith.constant 2 : i32
      %get3A_123 = arith.index_cast %get3A_122 : i32 to index
      %get3A_124 = arith.index_cast %add3A_113 : i32 to index
      %get3A_125 = tpu.vector_load %arg7[%get3A_123, %get3A_124] {strides = array<i32>} : memref<4x1024xi32, #tpu.memory_space<vmem>>, vector<16xi32>,
      %add3A_126 = arith.addi %get3A_125, %broadcast_in_dim3A_85 : vector<16xi32>
      tpu.vector_store_idx %arg8[%add3A_126], %broadcast_in_dim3A_40 {add = true} : memref<512xf32, #tpu.memory_space<vmem>>[vector<16xi32>], vector<16xf32>,
      %get3A_127 = arith.constant 3 : i32
      %get3A_128 = arith.index_cast %get3A_127 : i32 to index
      %get3A_129 = arith.index_cast %add3A_113 : i32 to index
      %get3A_130 = tpu.vector_load %arg7[%get3A_128, %get3A_129] {strides = array<i32>} : memref<4x1024xi32, #tpu.memory_space<vmem>>, vector<16xi32>,
      %add3A_131 = arith.addi %scan3A_109, %get3A_130 : vector<16xi32>
      %mul3A_132 = arith.constant 64 : i32
      %mul3A_133 = arith.muli %scan3A_108, %mul3A_132 : i32
      %add3A_134 = arith.constant 16 : i32
      %add3A_135 = arith.addi %mul3A_133, %add3A_134 : i32
      %get3A_136 = arith.constant 0 : i32
      %get3A_137 = arith.index_cast %get3A_136 : i32 to index
      %get3A_138 = arith.index_cast %add3A_135 : i32 to index
      %get3A_139 = tpu.vector_load %arg7[%get3A_137, %get3A_138] {strides = array<i32>} : memref<4x1024xi32, #tpu.memory_space<vmem>>, vector<16xi32>,
      tpu.vector_store_idx %arg8[%get3A_139], %broadcast_in_dim3A_40 {add = true} : memref<512xf32, #tpu.memory_space<vmem>>[vector<16xi32>], vector<16xf32>,
      %get3A_140 = arith.constant 1 : i32
      %get3A_141 = arith.index_cast %get3A_140 : i32 to index
      %get3A_142 = arith.index_cast %add3A_135 : i32 to index
      %get3A_143 = tpu.vector_load %arg7[%get3A_141, %get3A_142] {strides = array<i32>} : memref<4x1024xi32, #tpu.memory_space<vmem>>, vector<16xi32>,
      %add3A_144 = arith.addi %get3A_143, %broadcast_in_dim3A_83 : vector<16xi32>
      tpu.vector_store_idx %arg8[%add3A_144], %broadcast_in_dim3A_40 {add = true} : memref<512xf32, #tpu.memory_space<vmem>>[vector<16xi32>], vector<16xf32>,
      %get3A_145 = arith.constant 2 : i32
      %get3A_146 = arith.index_cast %get3A_145 : i32 to index
      %get3A_147 = arith.index_cast %add3A_135 : i32 to index
      %get3A_148 = tpu.vector_load %arg7[%get3A_146, %get3A_147] {strides = array<i32>} : memref<4x1024xi32, #tpu.memory_space<vmem>>, vector<16xi32>,
      %add3A_149 = arith.addi %get3A_148, %broadcast_in_dim3A_85 : vector<16xi32>
      tpu.vector_store_idx %arg8[%add3A_149], %broadcast_in_dim3A_40 {add = true} : memref<512xf32, #tpu.memory_space<vmem>>[vector<16xi32>], vector<16xf32>,
      %get3A_150 = arith.constant 3 : i32
      %get3A_151 = arith.index_cast %get3A_150 : i32 to index
      %get3A_152 = arith.index_cast %add3A_135 : i32 to index
      %get3A_153 = tpu.vector_load %arg7[%get3A_151, %get3A_152] {strides = array<i32>} : memref<4x1024xi32, #tpu.memory_space<vmem>>, vector<16xi32>,
      %add3A_154 = arith.addi %add3A_131, %get3A_153 : vector<16xi32>
      %mul3A_155 = arith.constant 64 : i32
      %mul3A_156 = arith.muli %scan3A_108, %mul3A_155 : i32
      %add3A_157 = arith.constant 32 : i32
      %add3A_158 = arith.addi %mul3A_156, %add3A_157 : i32
      %get3A_159 = arith.constant 0 : i32
      %get3A_160 = arith.index_cast %get3A_159 : i32 to index
      %get3A_161 = arith.index_cast %add3A_158 : i32 to index
      %get3A_162 = tpu.vector_load %arg7[%get3A_160, %get3A_161] {strides = array<i32>} : memref<4x1024xi32, #tpu.memory_space<vmem>>, vector<16xi32>,
      tpu.vector_store_idx %arg8[%get3A_162], %broadcast_in_dim3A_40 {add = true} : memref<512xf32, #tpu.memory_space<vmem>>[vector<16xi32>], vector<16xf32>,
      %get3A_163 = arith.constant 1 : i32
      %get3A_164 = arith.index_cast %get3A_163 : i32 to index
      %get3A_165 = arith.index_cast %add3A_158 : i32 to index
      %get3A_166 = tpu.vector_load %arg7[%get3A_164, %get3A_165] {strides = array<i32>} : memref<4x1024xi32, #tpu.memory_space<vmem>>, vector<16xi32>,
      %add3A_167 = arith.addi %get3A_166, %broadcast_in_dim3A_83 : vector<16xi32>
      tpu.vector_store_idx %arg8[%add3A_167], %broadcast_in_dim3A_40 {add = true} : memref<512xf32, #tpu.memory_space<vmem>>[vector<16xi32>], vector<16xf32>,
      %get3A_168 = arith.constant 2 : i32
      %get3A_169 = arith.index_cast %get3A_168 : i32 to index
      %get3A_170 = arith.index_cast %add3A_158 : i32 to index
      %get3A_171 = tpu.vector_load %arg7[%get3A_169, %get3A_170] {strides = array<i32>} : memref<4x1024xi32, #tpu.memory_space<vmem>>, vector<16xi32>,
      %add3A_172 = arith.addi %get3A_171, %broadcast_in_dim3A_85 : vector<16xi32>
      tpu.vector_store_idx %arg8[%add3A_172], %broadcast_in_dim3A_40 {add = true} : memref<512xf32, #tpu.memory_space<vmem>>[vector<16xi32>], vector<16xf32>,
      %get3A_173 = arith.constant 3 : i32
      %get3A_174 = arith.index_cast %get3A_173 : i32 to index
      %get3A_175 = arith.index_cast %add3A_158 : i32 to index
      %get3A_176 = tpu.vector_load %arg7[%get3A_174, %get3A_175] {strides = array<i32>} : memref<4x1024xi32, #tpu.memory_space<vmem>>, vector<16xi32>,
      %add3A_177 = arith.addi %add3A_154, %get3A_176 : vector<16xi32>
      %mul3A_178 = arith.constant 64 : i32
      %mul3A_179 = arith.muli %scan3A_108, %mul3A_178 : i32
      %add3A_180 = arith.constant 48 : i32
      %add3A_181 = arith.addi %mul3A_179, %add3A_180 : i32
      %get3A_182 = arith.constant 0 : i32
      %get3A_183 = arith.index_cast %get3A_182 : i32 to index
      %get3A_184 = arith.index_cast %add3A_181 : i32 to index
      %get3A_185 = tpu.vector_load %arg7[%get3A_183, %get3A_184] {strides = array<i32>} : memref<4x1024xi32, #tpu.memory_space<vmem>>, vector<16xi32>,
      tpu.vector_store_idx %arg8[%get3A_185], %broadcast_in_dim3A_40 {add = true} : memref<512xf32, #tpu.memory_space<vmem>>[vector<16xi32>], vector<16xf32>,
      %get3A_186 = arith.constant 1 : i32
      %get3A_187 = arith.index_cast %get3A_186 : i32 to index
      %get3A_188 = arith.index_cast %add3A_181 : i32 to index
      %get3A_189 = tpu.vector_load %arg7[%get3A_187, %get3A_188] {strides = array<i32>} : memref<4x1024xi32, #tpu.memory_space<vmem>>, vector<16xi32>,
      %add3A_190 = arith.addi %get3A_189, %broadcast_in_dim3A_83 : vector<16xi32>
      tpu.vector_store_idx %arg8[%add3A_190], %broadcast_in_dim3A_40 {add = true} : memref<512xf32, #tpu.memory_space<vmem>>[vector<16xi32>], vector<16xf32>,
      %get3A_191 = arith.constant 2 : i32
      %get3A_192 = arith.index_cast %get3A_191 : i32 to index
      %get3A_193 = arith.index_cast %add3A_181 : i32 to index
      %get3A_194 = tpu.vector_load %arg7[%get3A_192, %get3A_193] {strides = array<i32>} : memref<4x1024xi32, #tpu.memory_space<vmem>>, vector<16xi32>,
      %add3A_195 = arith.addi %get3A_194, %broadcast_in_dim3A_85 : vector<16xi32>
      tpu.vector_store_idx %arg8[%add3A_195], %broadcast_in_dim3A_40 {add = true} : memref<512xf32, #tpu.memory_space<vmem>>[vector<16xi32>], vector<16xf32>,
      %get3A_196 = arith.constant 3 : i32
      %get3A_197 = arith.index_cast %get3A_196 : i32 to index
      %get3A_198 = arith.index_cast %add3A_181 : i32 to index
      %get3A_199 = tpu.vector_load %arg7[%get3A_197, %get3A_198] {strides = array<i32>} : memref<4x1024xi32, #tpu.memory_space<vmem>>, vector<16xi32>,
      %add3A_200 = arith.addi %add3A_177, %get3A_199 : vector<16xi32>
      scf.yield %add3A_200 : vector<16xi32>
    }
    %scan3A_93 = arith.constant 16 : i32
    %reduce_sum3A = arith.constant true
    %reduce_sum3A_94 = vector.broadcast %reduce_sum3A : i1 to vector<16xi1>
    %reduce_sum3A_95 = tpu.scan <sum>, %scan3A_92 masked %reduce_sum3A_94 : vector<16xi32>, vector<16xi1> -> vector<16xi32>
    %reduce_sum3A_96 = vector.extract %reduce_sum3A_95[15] : i32 from vector<16xi32>
    %convert_element_type3A = arith.sitofp %reduce_sum3A_96 : i32 to f32
    %iota3A = tpu.iota {dimensions = array<i32: 0>} : vector<16xi32>
    %eq3A = arith.constant 0 : i32
    %eq3A_97 = vector.broadcast %eq3A : i32 to vector<16xi32>
    %eq3A_98 = arith.cmpi eq, %iota3A, %eq3A_97 : vector<16xi32>
    %sub3A = arith.constant 1.024000e+03 : f32
    %sub3A_99 = arith.subf %sub3A, %convert_element_type3A : f32
    %eq3A_100 = arith.constant 1 : i32
    %eq3A_101 = vector.broadcast %eq3A_100 : i32 to vector<16xi32>
    %eq3A_102 = arith.cmpi eq, %iota3A, %eq3A_101 : vector<16xi32>
    %jit3A = arith.constant 0.000000e+00 : f32
    %broadcast_in_dim3A_103 = vector.broadcast %convert_element_type3A : f32 to vector<16xf32>
    %broadcast_in_dim3A_104 = vector.broadcast %jit3A : f32 to vector<16xf32>
    %select_n3A = arith.select %eq3A_102, %broadcast_in_dim3A_103, %broadcast_in_dim3A_104 : vector<16xi1>, vector<16xf32>
    %broadcast_in_dim3A_105 = vector.broadcast %sub3A_99 : f32 to vector<16xf32>
    %select_n3A_106 = arith.select %eq3A_98, %broadcast_in_dim3A_105, %select_n3A : vector<16xi1>, vector<16xf32>
    %swap3A = arith.constant 384 : index
    %swap3A_107 = tpu.vector_load %arg8[%swap3A] {strides = array<i32>} : memref<512xf32, #tpu.memory_space<vmem>>, vector<16xf32>,
    tpu.vector_store %arg8[%swap3A], %select_n3A_106 {strides = array<i32>} : memref<512xf32, #tpu.memory_space<vmem>>, vector<16xf32>,
    "tpu.region"() ({
      %run_scoped3A = tpu.sem_alloc : memref<!tpu.dma_semaphore, #tpu.memory_space<semaphore_mem>>
      %dma_start3A_108 = arith.constant 0 : i32
      %dma_start3A_109 = tpu.memref_slice %arg6[%add3A, %dma_start3A_108] : memref<16x512xf32, #tpu.memory_space<hbm>> -> memref<1x512xf32, #tpu.memory_space<hbm>>
      %dma_start3A_110 = tpu.memref_squeeze %dma_start3A_109 : memref<1x512xf32, #tpu.memory_space<hbm>> -> memref<512xf32, #tpu.memory_space<hbm>>
      %dma_start3A_111 = arith.constant 0 : i32
      %dma_start3A_112 = tpu.memref_slice %arg6[%add3A, %dma_start3A_111] : memref<16x512xf32, #tpu.memory_space<hbm>> -> memref<1x512xf32, #tpu.memory_space<hbm>>
      %dma_start3A_113 = tpu.memref_squeeze %dma_start3A_112 : memref<1x512xf32, #tpu.memory_space<hbm>> -> memref<512xf32, #tpu.memory_space<hbm>>
      tpu.enqueue_dma source(%arg8 : memref<512xf32, #tpu.memory_space<vmem>>) target(%dma_start3A_113 : memref<512xf32, #tpu.memory_space<hbm>>) target_semaphore(%run_scoped3A : memref<!tpu.dma_semaphore, #tpu.memory_space<semaphore_mem>>)
      %dma_wait3A_114 = arith.constant 0 : i32
      %dma_wait3A_115 = tpu.memref_slice %arg6[%add3A, %dma_wait3A_114] : memref<16x512xf32, #tpu.memory_space<hbm>> -> memref<1x512xf32, #tpu.memory_space<hbm>>
      %dma_wait3A_116 = tpu.memref_squeeze %dma_wait3A_115 : memref<1x512xf32, #tpu.memory_space<hbm>> -> memref<512xf32, #tpu.memory_space<hbm>>
      %dma_wait3A_117 = arith.constant 0 : i32
      %dma_wait3A_118 = tpu.memref_slice %arg6[%add3A, %dma_wait3A_117] : memref<16x512xf32, #tpu.memory_space<hbm>> -> memref<1x512xf32, #tpu.memory_space<hbm>>
      %dma_wait3A_119 = tpu.memref_squeeze %dma_wait3A_118 : memref<1x512xf32, #tpu.memory_space<hbm>> -> memref<512xf32, #tpu.memory_space<hbm>>
      tpu.wait_dma2 semaphore(%run_scoped3A : memref<!tpu.dma_semaphore, #tpu.memory_space<semaphore_mem>>) src(%arg8 : memref<512xf32, #tpu.memory_space<vmem>>) dst(%dma_wait3A_119 : memref<512xf32, #tpu.memory_space<hbm>>)
      tpu.yield
    }) : () -> ()
    return
  }
}

module attributes {stable_mosaic.version = 14 : i64} {
  func.func @_combine_body(%arg0: memref<16x512xf32, #tpu.memory_space<vmem>>, %arg1: memref<1x2xf32, #tpu.memory_space<vmem>>, %arg2: memref<128x512xf32, #tpu.memory_space<vmem>>, %arg3: memref<128x512xf32, #tpu.memory_space<vmem>>, %arg4: memref<128x512xf32, #tpu.memory_space<vmem>>, %arg5: memref<2x512xf32, #tpu.memory_space<vmem>>, %arg6: memref<1x3072xf32, #tpu.memory_space<vmem>>) attributes {dimension_semantics = [], scalar_prefetch = 0 : i64, scratch_operands = 0 : i64, tpu.core_type = #tpu.core_type<tc>} {
    %get3A = arith.constant 0 : index
    %get3A_0 = arith.constant 0 : index
    %get3A_1 = vector.load %arg0[%get3A, %get3A_0] : memref<16x512xf32, #tpu.memory_space<vmem>>, vector<16x512xf32>
    %reduce_sum3A = arith.constant dense<0.000000e+00> : vector<512xf32>
    %reduce_sum3A_2 = vector.multi_reduction <add>, %get3A_1, %reduce_sum3A [0] : vector<16x512xf32> to vector<512xf32>
    %broadcast_in_dim3A = vector.shape_cast %reduce_sum3A_2 : vector<512xf32> to vector<1x512xf32>
    %slice3A = vector.extract_strided_slice %broadcast_in_dim3A {offsets = [0, 0], sizes = [1, 128], strides = [1, 1]} : vector<1x512xf32> to vector<1x128xf32>
    %get3A_3 = arith.constant 0 : index
    %get3A_4 = arith.constant 0 : index
    %get3A_5 = vector.load %arg2[%get3A_3, %get3A_4] : memref<128x512xf32, #tpu.memory_space<vmem>>, vector<128x512xf32>
    %dot_general3A = arith.constant dense<0.000000e+00> : vector<1x512xf32>
    %dot_general3A_6 = tpu.matmul %slice3A, %get3A_5, %dot_general3A {dimension_numbers = #tpu.dot_dimension_numbers<[1], [0], [0], [1], [0, 0, 1, 1], [], []>, precision = #tpu.contract_precision<fp32>, transpose_lhs_hint = false} : vector<1x128xf32>, vector<128x512xf32>, vector<1x512xf32> -> vector<1x512xf32>
    %slice3A_7 = vector.extract_strided_slice %broadcast_in_dim3A {offsets = [0, 128], sizes = [1, 128], strides = [1, 1]} : vector<1x512xf32> to vector<1x128xf32>
    %get3A_8 = arith.constant 0 : index
    %get3A_9 = arith.constant 0 : index
    %get3A_10 = vector.load %arg3[%get3A_8, %get3A_9] : memref<128x512xf32, #tpu.memory_space<vmem>>, vector<128x512xf32>
    %dot_general3A_11 = arith.constant dense<0.000000e+00> : vector<1x512xf32>
    %dot_general3A_12 = tpu.matmul %slice3A_7, %get3A_10, %dot_general3A_11 {dimension_numbers = #tpu.dot_dimension_numbers<[1], [0], [0], [1], [0, 0, 1, 1], [], []>, precision = #tpu.contract_precision<fp32>, transpose_lhs_hint = false} : vector<1x128xf32>, vector<128x512xf32>, vector<1x512xf32> -> vector<1x512xf32>
    %slice3A_13 = vector.extract_strided_slice %broadcast_in_dim3A {offsets = [0, 256], sizes = [1, 128], strides = [1, 1]} : vector<1x512xf32> to vector<1x128xf32>
    %get3A_14 = arith.constant 0 : index
    %get3A_15 = arith.constant 0 : index
    %get3A_16 = vector.load %arg4[%get3A_14, %get3A_15] : memref<128x512xf32, #tpu.memory_space<vmem>>, vector<128x512xf32>
    %dot_general3A_17 = arith.constant dense<0.000000e+00> : vector<1x512xf32>
    %dot_general3A_18 = tpu.matmul %slice3A_13, %get3A_16, %dot_general3A_17 {dimension_numbers = #tpu.dot_dimension_numbers<[1], [0], [0], [1], [0, 0, 1, 1], [], []>, precision = #tpu.contract_precision<fp32>, transpose_lhs_hint = false} : vector<1x128xf32>, vector<128x512xf32>, vector<1x512xf32> -> vector<1x512xf32>
    %slice3A_19 = vector.extract_strided_slice %broadcast_in_dim3A {offsets = [0, 384], sizes = [1, 2], strides = [1, 1]} : vector<1x512xf32> to vector<1x2xf32>
    %get3A_20 = arith.constant 0 : index
    %get3A_21 = arith.constant 0 : index
    %get3A_22 = vector.load %arg5[%get3A_20, %get3A_21] : memref<2x512xf32, #tpu.memory_space<vmem>>, vector<2x512xf32>
    %dot_general3A_23 = arith.constant dense<0.000000e+00> : vector<1x512xf32>
    %dot_general3A_24 = tpu.matmul %slice3A_19, %get3A_22, %dot_general3A_23 {dimension_numbers = #tpu.dot_dimension_numbers<[1], [0], [0], [1], [0, 0, 1, 1], [], []>, precision = #tpu.contract_precision<fp32>, transpose_lhs_hint = false} : vector<1x2xf32>, vector<2x512xf32>, vector<1x512xf32> -> vector<1x512xf32>
    %iota3A = tpu.iota {dimensions = array<i32: 1>} : vector<1x256xi32>
    %convert_element_type3A = arith.sitofp %iota3A : vector<1x256xi32> to vector<1x256xf32>
    %mul3A = arith.constant 2.000000e+00 : f32
    %mul3A_25 = vector.broadcast %mul3A : f32 to vector<1x256xf32>
    %mul3A_26 = arith.mulf %mul3A_25, %convert_element_type3A : vector<1x256xf32>
    %div3A = arith.constant 5.120000e+02 : f32
    %div3A_27 = vector.broadcast %div3A : f32 to vector<1x256xf32>
    %div3A_28 = arith.divf %mul3A_26, %div3A_27 : vector<1x256xf32>
    %log3A = arith.constant 1.000000e+04 : f32
    %log3A_29 = math.log %log3A : f32
    %mul3A_30 = vector.broadcast %log3A_29 : f32 to vector<1x256xf32>
    %mul3A_31 = arith.mulf %div3A_28, %mul3A_30 : vector<1x256xf32>
    %exp3A = math.exp %mul3A_31 : vector<1x256xf32>
    %get3A_32 = arith.constant 0 : index
    %get3A_33 = arith.constant 0 : index
    %get3A_34 = vector.load %arg1[%get3A_32, %get3A_33] : memref<1x2xf32, #tpu.memory_space<vmem>>, vector<1x1xf32>
    %get3A_35 = vector.extract %get3A_34[0, 0] : f32 from vector<1x1xf32>
    %mul3A_36 = vector.broadcast %get3A_35 : f32 to vector<1x256xf32>
    %mul3A_37 = arith.mulf %mul3A_36, %exp3A : vector<1x256xf32>
    %get3A_38 = arith.constant 0 : index
    %get3A_39 = arith.constant 1 : index
    %get3A_40 = vector.load %arg1[%get3A_38, %get3A_39] : memref<1x2xf32, #tpu.memory_space<vmem>>, vector<1x1xf32>
    %get3A_41 = vector.extract %get3A_40[0, 0] : f32 from vector<1x1xf32>
    %mul3A_42 = vector.broadcast %get3A_41 : f32 to vector<1x256xf32>
    %mul3A_43 = arith.mulf %mul3A_42, %exp3A : vector<1x256xf32>
    %sin3A = math.sin %mul3A_37 : vector<1x256xf32>
    %cos3A = math.cos %mul3A_37 : vector<1x256xf32>
    %concatenate3A = tpu.concatenate %sin3A, %cos3A in 1 : vector<1x256xf32>, vector<1x256xf32> -> vector<1x512xf32>
    %sin3A_44 = math.sin %mul3A_43 : vector<1x256xf32>
    %cos3A_45 = math.cos %mul3A_43 : vector<1x256xf32>
    %concatenate3A_46 = tpu.concatenate %sin3A_44, %cos3A_45 in 1 : vector<1x256xf32>, vector<1x256xf32> -> vector<1x512xf32>
    %swap3A = arith.constant 0 : index
    %swap3A_47 = arith.constant 0 : index
    %swap3A_48 = vector.load %arg6[%swap3A, %swap3A_47] : memref<1x3072xf32, #tpu.memory_space<vmem>>, vector<1x512xf32>
    tpu.vector_store %arg6[%swap3A, %swap3A_47], %dot_general3A_24 {strides = array<i32>} : memref<1x3072xf32, #tpu.memory_space<vmem>>, vector<1x512xf32>,
    %swap3A_49 = arith.constant 0 : index
    %swap3A_50 = arith.constant 512 : index
    %swap3A_51 = vector.load %arg6[%swap3A_49, %swap3A_50] : memref<1x3072xf32, #tpu.memory_space<vmem>>, vector<1x512xf32>
    tpu.vector_store %arg6[%swap3A_49, %swap3A_50], %concatenate3A {strides = array<i32>} : memref<1x3072xf32, #tpu.memory_space<vmem>>, vector<1x512xf32>,
    %swap3A_52 = arith.constant 0 : index
    %swap3A_53 = arith.constant 1024 : index
    %swap3A_54 = vector.load %arg6[%swap3A_52, %swap3A_53] : memref<1x3072xf32, #tpu.memory_space<vmem>>, vector<1x512xf32>
    tpu.vector_store %arg6[%swap3A_52, %swap3A_53], %concatenate3A_46 {strides = array<i32>} : memref<1x3072xf32, #tpu.memory_space<vmem>>, vector<1x512xf32>,
    %swap3A_55 = arith.constant 0 : index
    %swap3A_56 = arith.constant 1536 : index
    %swap3A_57 = vector.load %arg6[%swap3A_55, %swap3A_56] : memref<1x3072xf32, #tpu.memory_space<vmem>>, vector<1x512xf32>
    tpu.vector_store %arg6[%swap3A_55, %swap3A_56], %dot_general3A_18 {strides = array<i32>} : memref<1x3072xf32, #tpu.memory_space<vmem>>, vector<1x512xf32>,
    %swap3A_58 = arith.constant 0 : index
    %swap3A_59 = arith.constant 2048 : index
    %swap3A_60 = vector.load %arg6[%swap3A_58, %swap3A_59] : memref<1x3072xf32, #tpu.memory_space<vmem>>, vector<1x512xf32>
    tpu.vector_store %arg6[%swap3A_58, %swap3A_59], %dot_general3A_6 {strides = array<i32>} : memref<1x3072xf32, #tpu.memory_space<vmem>>, vector<1x512xf32>,
    %swap3A_61 = arith.constant 0 : index
    %swap3A_62 = arith.constant 2560 : index
    %swap3A_63 = vector.load %arg6[%swap3A_61, %swap3A_62] : memref<1x3072xf32, #tpu.memory_space<vmem>>, vector<1x512xf32>
    tpu.vector_store %arg6[%swap3A_61, %swap3A_62], %dot_general3A_12 {strides = array<i32>} : memref<1x3072xf32, #tpu.memory_space<vmem>>, vector<1x512xf32>,
    return
  }
}

</mosaic_0001>

<sc_bundles>
// kernel: kernel.4.cloned.1.call-start
scs
__scs_entry_jumppad:
0x0: {  	(pc) =	sbr.rel $0x88, $3  }
0x1: {  	(tag) =	ssettag $0x0;
	lr =	simm.s32 $0x1  }
0x2: {  	[smem:$0x3F98] =	sst lr;
	_ =	strace $0xD0000000  }
0x3: {  	_ = 	snop  }
0x4: {  	_ = 	snop  }
0x5: {  	_ = 	snop  }
0x6: {  	_ = 	snop  }
0x7: {  	_ = 	snop  }
__scs_overlays_trampoline_lowered:
0x8: {  	[smem:$0x3FA7] =	sst s0  }
0x9: {  	[smem:$0x3FA8] =	sst s1  }
0xa: {  	[smem:$0x3FA9] =	sst s2  }
0xb: {  	[smem:$0x3FAA] =	sst s3  }
0xc: {  	[smem:$0x3FAB] =	sst s4  }
0xd: {  	[smem:$0x3FAC] =	sst s5  }
0xe: {  	[smem:$0x3FAD] =	sst s6  }
0xf: {  	[smem:$0x3FAE] =	sst s7  }
0x10: {  	[smem:$0x3FAF] =	sst s8  }
0x11: {  	[smem:$0x3FB0] =	sst s9;
	s0 =	simm.s32 @!p0 $0x0  }
0x12: {  	s1 =	sld [smem:$0x3F96];
	s0 =	simm.s32 @p0 $0x1  }
0x13: {  	[smem:$0x3FB1] =	sst s0;
	s0 =	simm.s32 @!p1 $0x0  }
0x14: {  	s2 =	sld [smem:$0x3F95];
	s0 =	simm.s32 @p1 $0x1  }
0x15: {  	[smem:$0x3FB2] =	sst s0;
	s0 =	simm.s32 @!p2 $0x0  }
0x16: {  	s3 =	sld [smem:$0x3FDB];
	s0 =	simm.s32 @p2 $0x1  }
0x17: {  	s4 =	simm.s32 $0x1BF5;
	[smem:$0x3FB4] =	sst s0  }
0x18: {  	s0 =	sld [smem:$0x3F97];
	_ =	swait.ge [sflag:s4], $0x0  }
0x19: {  	s7 =	sld [smem:$0x3F98]  }
0x1a: {  	s8 =	sadd.s32 $0xFFFFE003, lr  }
0x1b: {  	s9 =	sadd.s32 $0xFFFFFEF7, lr;
	s5 =	simm.s32 $0xFFFFFFFF;
	p2 =	slt.u32 s8, $0xFFFFF086  }
0x1c: {  	p1 =	slt.u32 s9, $0xF7A;
	s5 =	simm.s32 @!p2 $0x0  }
0x1d: {  	s5 =	simm.s32 @p1 $0x1;
	p0 =	seq.s32 s7, s2  }
0x1e: {  	s7 =	smul.u32 @!p0 $0xF7A, s2;
	p2 =	seq.s32 @!p0 s5, $0x0  }
0x1f: {  	s9 =	smul.u32 $0xF7A, s1;
	s8 =	simm.s32 @!p0 $0x1BF5;
	p2 =	por !p2, p0  }
0x20: {  	[sflag:s8] =	ssyncset.s32 @!p0 $0xFFFFF086;
	s6 =	sadd.s32 @!p0 s3, s7;
	s7 =	simm.s32 @!p0 $0x108  }
0x21: {  	s3 =	sadd.s32 s3, s9;
	s6 =	sadd.s32 @!p0 $0x88, s6;
	s7 =	simm.s32 @p2 $0x1082  }
0x22: {  	[simem:s7], [sflag:s8] =	dma.local @!p0 [hbm:s6], $0xF7A  }
0x23: {  	s9 =	sor.u32 $0xD0000000, s2;
	s6 =	simm.s32 $0x108;
	_ =	swait.ge @!p0 [sflag:s8], $0x0  }
0x24: {  	s3 =	sadd.s32 $0x88, s3;
	s6 =	simm.s32 @!p1 $0x1082;
	[sflag:s4] =	ssyncset.s32 $0xFFFFF086  }
0x25: {  	[simem:s6], [sflag:s4] =	dma.local [hbm:s3], $0xF7A  }
0x26: {  	[smem:$0x3F98] =	sst s1;
	(tag) =	ssettag s2;
	_ =	strace s9  }
0x27: {  	s1 =	sld [smem:$0x3FA8]  }
0x28: {  	s2 =	sld [smem:$0x3FA9]  }
0x29: {  	s4 =	sld [smem:$0x3FAB]  }
0x2a: {  	p0 =	seq.s32 s5, $0x0;
	s5 =	sld [smem:$0x3FAC]  }
0x2b: {  	s6 =	sld [smem:$0x3FAD]  }
0x2c: {  	s7 =	sld [smem:$0x3FAE]  }
0x2d: {  	s3 =	simm.s32 $0x108;
	s8 =	sld [smem:$0x3FAF]  }
0x2e: {  	s3 =	simm.s32 @!p0 $0x1082;
	s9 =	sld [smem:$0x3FB0]  }
0x2f: {  	lr =	sadd.s32 s0, s3;
	s0 =	sld [smem:$0x3FA7]  }
0x30: {  	s3 =	sld [smem:$0x3FAA]  }
0x31: {  	[smem:$0x3FB3] =	sst s10  }
0x32: {  	s10 =	sld [smem:$0x3FB1];
	_ =	sdelay $0x3  }
0x33: {  	p0 =	seq.s32 s10, $0x1;
	s10 =	sld [smem:$0x3FB3];
	_ =	sdelay $0x3  }
0x34: {  	[smem:$0x3FB3] =	sst s10  }
0x35: {  	s10 =	sld [smem:$0x3FB2];
	_ =	sdelay $0x3  }
0x36: {  	p1 =	seq.s32 s10, $0x1;
	s10 =	sld [smem:$0x3FB3];
	_ =	sdelay $0x3  }
0x37: {  	[smem:$0x3FB3] =	sst s10  }
0x38: {  	s10 =	sld [smem:$0x3FB4]  }
0x39: {  	_ = 	snop;
	(pc) =	sbr.ind lr, $3  }
0x3a: {  	_ = 	snop  }
0x3b: {  	_ = 	snop  }
0x3c: {  	p2 =	seq.s32 s10, $0x1;
	s10 =	sld [smem:$0x3FB3]  }
0x3d: {  	_ =	shalt  }
0x3e: {  	_ =	shalt  }
0x3f: {  	_ =	shalt  }
0x40: {  	_ =	shalt  }
0x41: {  	_ =	shalt  }
0x42: {  	_ =	shalt  }
0x43: {  	_ =	shalt  }
0x44: {  	_ =	shalt  }
0x45: {  	_ =	shalt  }
0x46: {  	_ =	shalt  }
0x47: {  	_ =	shalt  }
0x48: {  	_ =	shalt  }
0x49: {  	_ =	shalt  }
0x4a: {  	_ =	shalt  }
0x4b: {  	_ =	shalt  }
0x4c: {  	_ =	shalt  }
0x4d: {  	_ =	shalt  }
0x4e: {  	_ =	shalt  }
0x4f: {  	_ =	shalt  }
0x50: {  	_ =	shalt  }
0x51: {  	_ =	shalt  }
0x52: {  	_ =	shalt  }
0x53: {  	_ =	shalt  }
0x54: {  	_ =	shalt  }
0x55: {  	_ =	shalt  }
0x56: {  	_ =	shalt  }
0x57: {  	_ =	shalt  }
0x58: {  	_ =	shalt  }
0x59: {  	_ =	shalt  }
0x5a: {  	_ =	shalt  }
0x5b: {  	_ =	shalt  }
0x5c: {  	_ =	shalt  }
0x5d: {  	_ =	shalt  }
0x5e: {  	_ =	shalt  }
0x5f: {  	_ =	shalt  }
0x60: {  	_ =	shalt  }
0x61: {  	_ =	shalt  }
0x62: {  	_ =	shalt  }
0x63: {  	_ =	shalt  }
0x64: {  	_ =	shalt  }
0x65: {  	_ =	shalt  }
0x66: {  	_ =	shalt  }
0x67: {  	_ =	shalt  }
0x68: {  	_ =	shalt  }
0x69: {  	_ =	shalt  }
0x6a: {  	_ =	shalt  }
0x6b: {  	_ =	shalt  }
0x6c: {  	_ =	shalt  }
0x6d: {  	_ =	shalt  }
0x6e: {  	_ =	shalt  }
0x6f: {  	_ =	shalt  }
0x70: {  	_ =	shalt  }
0x71: {  	_ =	shalt  }
0x72: {  	_ =	shalt  }
0x73: {  	_ =	shalt  }
0x74: {  	_ =	shalt  }
0x75: {  	_ =	shalt  }
0x76: {  	_ =	shalt  }
0x77: {  	_ =	shalt  }
0x78: {  	_ =	shalt  }
0x79: {  	_ =	shalt  }
0x7a: {  	_ =	shalt  }
0x7b: {  	_ =	shalt  }
0x7c: {  	_ =	shalt  }
0x7d: {  	_ =	shalt  }
0x7e: {  	_ =	shalt  }
0x7f: {  	_ =	shalt  }
0x80: {  	_ =	shalt  }
0x81: {  	_ =	shalt  }
0x82: {  	_ =	shalt  }
0x83: {  	_ =	shalt  }
0x84: {  	_ =	shalt  }
0x85: {  	_ =	shalt  }
0x86: {  	_ =	shalt  }
0x87: {  	_ =	shalt  }
.Lfunc_end0:
.L_simem_size_0:
called_computation_lowered:
.L_overlay_start_0:
0x88: {  	s0 =	sld [smem:$0x3FD9]  }
0x89: {  	s1 =	sld [smem:$0x3FFE];
	_ =	sdelay $0x3  }
0x8a: {  	s0 =	sadd.s32 s1, s0  }
0x8b: {  	[smem:$0x3FBF] =	sst s0  }
0x8c: {  	_ = 	snop  }
0x8d: {  	s0 =	sld [smem:$0x3FC9]  }
0x8e: {  	s16 =	sld [smem:$0x3FC8]  }
0x8f: {  	s2 =	sld [smem:$0x3FC7]  }
0x90: {  	s3 =	sld [smem:$0x3FC5];
	(tm) =	ssettm $0x1  }
0x91: {  	s4 =	sld [smem:$0x3FFB];
	_ =	sdelay $0x3  }
0x92: {  	_ =	strace s4  }
0x93: {  	s4 =	sld [smem:$0x3FFC];
	_ =	sdelay $0x3  }
0x94: {  	_ =	strace s4  }
0x95: {  	s4 =	sld [smem:$0x3FFD];
	_ =	sdelay $0x3  }
0x96: {  	_ =	strace s4  }
0x97: {  	_ =	strace $0x8FFFFFFF  }
0x98: {  	s17 =	sld [smem:$0x3FDB];
	_ =	sdelay $0x1  }
0x99: {  	s5 =	simm.s32 $_scs_section_size  }
0x9a: {  	s6 =	simm.s32 $_size__tile_overlayer_lowered;
	s7 =	simm.s32 $_tile_overlayer_lowered  }
0x9b: {  	s20 =	simm.s32 $0x1BFF;
	s19 =	sshll.u32 s7, $0x1;
	s4 =	sadd.s32 s5, s17  }
0x9c: {  	s8 =	simm.s32 $0x0;
	s18 =	sshll.u32 s6, $0x1;
	s6 =	sadd.s32 s19, s4  }
0x9d: {  	[timem:s8], [sflag:s20] =	dma.local [hbm:s6], s18  }
0x9e: {  	_ =	swait.ge [sflag:s20], s18  }
0x9f: {  	s5 =	ssub.s32 $0x0, s18;
	[sflag:s20] =	ssyncset.done $0x0  }
0xa0: {  	[sflag:s20] =	ssyncadd.s32 s5;
	_ =	sdelay $0x1  }
0xa1: {  	s21 =	simm.s32 $0x1B8B  }
0xa2: {  	_ =	swait.ge [sflag:s21], $0x1  }
0xa3: {  	[sflag:s21] =	ssyncset.done $0x0  }
0xa4: {  	s23 =	simm.s32 $0x1B8E;
	s22 =	sld [smem:$0x3FFE];
	[sflag:s21] =	ssyncadd.s32 $0xFFFFFFFF  }
0xa5: {  	s24 =	simm.s32 $execute0_lowered;
	[smem:$0x3FD2] =	sst s23  }
0xa6: {  	s6 =	sshll.u32 s24, $0x1;
	_ =	strace $0x80000046;
	[dreg:$0x1] =	wrdreg $0xFFFFFFFF  }
0xa7: {  	s25 =	simm.s32 $_size_execute0_lowered;
	s4 =	sadd.s32 s4, s6;
	[dreg:$0x0] =	wrdreg $0x0  }
0xa8: {  	s6 =	sshll.u32 s25, $0x1;
	[dreg:$0x2] =	wrdreg s4  }
0xa9: {  	[dreg:$0x3] =	wrdreg s6  }
0xaa: {  	[dreg:$0x4] =	wrdreg $0xC0  }
0xab: {  	_ =	task [dreg:s8], $0x5FFFF  }
0xac: {  	[dreg:$0x1] =	wrdreg $0xFFFFFFFF  }
0xad: {  	[dreg:$0x0] =	wrdreg $0x60  }
0xae: {  	[dreg:$0x2] =	wrdreg s0  }
0xaf: {  	[dreg:$0x3] =	wrdreg s16  }
0xb0: {  	[dreg:$0x4] =	wrdreg s2  }
0xb1: {  	[dreg:$0x5] =	wrdreg s3  }
0xb2: {  	[dreg:$0x6] =	wrdreg s22  }
0xb3: {  	[dreg:$0x7] =	wrdreg $0x9  }
0xb4: {  	_ =	task.clear_ibuf [dreg:s8], $0x8FFFF;
	_ =	strace $0x90000046  }
0xb5: {  	s26 =	simm.s32 $0x9;
	_ =	strace $0x80000048  }
0xb6: {  	_ =	swait.ge [sflag:s26], $0x1  }
0xb7: {  	[sflag:s26] =	ssyncadd.s32 $0xFFFFFFFF  }
0xb8: {  	_ =	strace $0x90000048  }
0xb9: {  	_ =	sfence  }
0xba: {  	s28 =	sld [smem:$0x0];
	_ =	sdelay $0x1  }
0xbb: {  	s29 =	srdreg.scid  }
0xbc: {  	s30 =	sshll.u32 s29, $0xD;
	s31 =	sshrl.u32 s29, $0x2  }
0xbd: {  	s1 =	sand.u32 $0x1, s29;
	s2 =	sand.u32 $0x4000, s30;
	s0 =	sadd.s32 s31, s28  }
0xbe: {  	s1 =	sor.u32 s2, s1;
	s0 =	sshll.u32 s0, $0x11  }
0xbf: {  	s0 =	sor.u32 s0, s1  }
0xc0: {  	s0 =	sadd.s32 $0x8F2B, s0  }
0xc1: {  	[sflag:s0] =	ssyncadd.remote.s32 $0x1  }
0xc2: {  	_ =	sfence.sel $0xFFFF  }
0xc3: {  	[dreg:$0x0] =	wrdreg $0xFFFFFFFF;
	(pc) =	sbr.abs _section_cstart, $3  }
0xc4: {  	[dreg:$0x1] =	wrdreg $0xFFFFFFFF  }
0xc5: {  	_ =	task.clear_ibuf [dreg:s8], $0x2FFFF;
	_ =	strace $0x9FFFFFFF  }
0xc6: {  	(tm) =	ssettm $0x7FFFFFFF  }
0xc7: {  	_ =	shalt  }
tec
execute0_lowered:
.L_overlay_start_1:
0x0: {  	(tag) =	ssettag $0x1  }
0x1: {  	s6 =	rddreg [dreg:$0x0]  }
0x2: {  	s7 =	rddreg [dreg:$0x1]  }
0x3: {  	s8 =	rddreg [dreg:$0x2]  }
0x4: {  	s5 =	rddreg [dreg:$0x3]  }
0x5: {  	s4 =	rddreg [dreg:$0x4];
	s3 =	simm.s32 $0x0;
	s1 =	stileid.u32  }
0x6: {  	[smem:$0x7FF] =	sst s3;
	s2 =	sshll.u32 s1, $0x7  }
0x7: {  	s0 =	rddreg [dreg:$0x5];
	_ =	strace $0x80000047;
	s6 =	sadd.s32 s6, s2  }
0x8: {  	[tilespmem:s3], [sflag:$0x1] =	stream.linear.gather [hbm4b:s6+s3], $0x80, $0x38;
	[tilespmem:$0x1200] =	vst v63  }
0x9: {  	s10 =	simm.s32 $0x200;
	s9 =	sadd.s32 $0x10, s6  }
0xa: {  	[tilespmem:s10], [sflag:$0x1] =	stream.linear.gather [hbm4b:s9+s3], $0x80, $0x38;
	[tilespmem:$0x1200] =	vst v63  }
0xb: {  	s17 =	simm.s32 $0x400;
	s16 =	sadd.s32 $0x20, s6  }
0xc: {  	[tilespmem:s17], [sflag:$0x1] =	stream.linear.gather [hbm4b:s16+s3], $0x80, $0x38;
	[tilespmem:$0x1200] =	vst v63  }
0xd: {  	s19 =	simm.s32 $0x600;
	s18 =	sadd.s32 $0x30, s6  }
0xe: {  	[tilespmem:s19], [sflag:$0x1] =	stream.linear.gather [hbm4b:s18+s3], $0x80, $0x38;
	[tilespmem:$0x1200] =	vst v63  }
0xf: {  	s21 =	simm.s32 $0x800;
	s20 =	sadd.s32 $0x40, s6  }
0x10: {  	[tilespmem:s21], [sflag:$0x1] =	stream.linear.gather [hbm4b:s20+s3], $0x80, $0x38;
	[tilespmem:$0x1200] =	vst v63  }
0x11: {  	s23 =	simm.s32 $0xA00;
	s22 =	sadd.s32 $0x50, s6  }
0x12: {  	[tilespmem:s23], [sflag:$0x1] =	stream.linear.gather [hbm4b:s22+s3], $0x80, $0x38;
	[tilespmem:$0x1200] =	vst v63  }
0x13: {  	s25 =	simm.s32 $0xC00;
	s24 =	sadd.s32 $0x60, s6  }
0x14: {  	[tilespmem:s25], [sflag:$0x1] =	stream.linear.gather [hbm4b:s24+s3], $0x80, $0x38;
	[tilespmem:$0x1200] =	vst v63  }
0x15: {  	s26 =	simm.s32 $0xE00;
	s6 =	sadd.s32 $0x70, s6  }
0x16: {  	[tilespmem:s26], [sflag:$0x1] =	stream.linear.gather [hbm4b:s6+s3], $0x80, $0x38;
	[tilespmem:$0x1200] =	vst v63  }
0x17: {  	s29 =	simm.s32 $0x80;
	s28 =	sadd.s32 s7, s2  }
0x18: {  	[tilespmem:s29], [sflag:$0x2] =	stream.linear.gather [hbm4b:s28+s3], $0x80, $0x38;
	[tilespmem:$0x1200] =	vst v63  }
0x19: {  	s31 =	simm.s32 $0x280;
	s30 =	sadd.s32 $0x10, s28  }
0x1a: {  	[tilespmem:s31], [sflag:$0x2] =	stream.linear.gather [hbm4b:s30+s3], $0x80, $0x38;
	[tilespmem:$0x1200] =	vst v63  }
0x1b: {  	s11 =	simm.s32 $0x480;
	s10 =	sadd.s32 $0x20, s28  }
0x1c: {  	[tilespmem:s11], [sflag:$0x2] =	stream.linear.gather [hbm4b:s10+s3], $0x80, $0x38;
	[tilespmem:$0x1200] =	vst v63  }
0x1d: {  	s13 =	simm.s32 $0x680;
	s12 =	sadd.s32 $0x30, s28  }
0x1e: {  	[tilespmem:s13], [sflag:$0x2] =	stream.linear.gather [hbm4b:s12+s3], $0x80, $0x38;
	[tilespmem:$0x1200] =	vst v63  }
0x1f: {  	s15 =	simm.s32 $0x880;
	s14 =	sadd.s32 $0x40, s28  }
0x20: {  	[tilespmem:s15], [sflag:$0x2] =	stream.linear.gather [hbm4b:s14+s3], $0x80, $0x38;
	[tilespmem:$0x1200] =	vst v63  }
0x21: {  	s16 =	sadd.s32 $0x50, s28;
	s17 =	simm.s32 $0xA80  }
0x22: {  	[tilespmem:s17], [sflag:$0x2] =	stream.linear.gather [hbm4b:s16+s3], $0x80, $0x38;
	[tilespmem:$0x1200] =	vst v63  }
0x23: {  	s18 =	sadd.s32 $0x60, s28;
	s19 =	simm.s32 $0xC80  }
0x24: {  	[tilespmem:s19], [sflag:$0x2] =	stream.linear.gather [hbm4b:s18+s3], $0x80, $0x38;
	[tilespmem:$0x1200] =	vst v63  }
0x25: {  	s20 =	simm.s32 $0xE80;
	s6 =	sadd.s32 $0x70, s28  }
0x26: {  	[tilespmem:s20], [sflag:$0x2] =	stream.linear.gather [hbm4b:s6+s3], $0x80, $0x38;
	[tilespmem:$0x1200] =	vst v63  }
0x27: {  	s21 =	sadd.s32 s8, s2;
	s22 =	simm.s32 $0x100  }
0x28: {  	[tilespmem:s22], [sflag:$0x3] =	stream.linear.gather [hbm4b:s21+s3], $0x80, $0x38;
	[tilespmem:$0x1200] =	vst v63  }
0x29: {  	s23 =	sadd.s32 $0x10, s21;
	s24 =	simm.s32 $0x300  }
0x2a: {  	[tilespmem:s24], [sflag:$0x3] =	stream.linear.gather [hbm4b:s23+s3], $0x80, $0x38;
	[tilespmem:$0x1200] =	vst v63  }
0x2b: {  	s25 =	sadd.s32 $0x20, s21;
	s26 =	simm.s32 $0x500  }
0x2c: {  	[tilespmem:s26], [sflag:$0x3] =	stream.linear.gather [hbm4b:s25+s3], $0x80, $0x38;
	[tilespmem:$0x1200] =	vst v63  }
0x2d: {  	s28 =	sadd.s32 $0x30, s21;
	s29 =	simm.s32 $0x700  }
0x2e: {  	[tilespmem:s29], [sflag:$0x3] =	stream.linear.gather [hbm4b:s28+s3], $0x80, $0x38;
	[tilespmem:$0x1200] =	vst v63  }
0x2f: {  	s30 =	sadd.s32 $0x40, s21;
	s31 =	simm.s32 $0x900  }
0x30: {  	[tilespmem:s31], [sflag:$0x3] =	stream.linear.gather [hbm4b:s30+s3], $0x80, $0x38;
	[tilespmem:$0x1200] =	vst v63  }
0x31: {  	s9 =	simm.s32 $0xB00;
	s8 =	sadd.s32 $0x50, s21  }
0x32: {  	[tilespmem:s9], [sflag:$0x3] =	stream.linear.gather [hbm4b:s8+s3], $0x80, $0x38;
	[tilespmem:$0x1200] =	vst v63  }
0x33: {  	s10 =	sadd.s32 $0x60, s21;
	s11 =	simm.s32 $0xD00  }
0x34: {  	[tilespmem:s11], [sflag:$0x3] =	stream.linear.gather [hbm4b:s10+s3], $0x80, $0x38;
	[tilespmem:$0x1200] =	vst v63  }
0x35: {  	s12 =	simm.s32 $0xF00;
	s6 =	sadd.s32 $0x70, s21  }
0x36: {  	[tilespmem:s12], [sflag:$0x3] =	stream.linear.gather [hbm4b:s6+s3], $0x80, $0x38;
	[tilespmem:$0x1200] =	vst v63  }
0x37: {  	s5 =	sadd.s32 s5, s2;
	s13 =	simm.s32 $0x180  }
0x38: {  	[tilespmem:s13], [sflag:$0x4] =	stream.linear.gather [hbm4b:s5+s3], $0x80, $0x38;
	[tilespmem:$0x1200] =	vst v63  }
0x39: {  	s14 =	sadd.s32 $0x10, s5;
	s15 =	simm.s32 $0x380  }
0x3a: {  	[tilespmem:s15], [sflag:$0x4] =	stream.linear.gather [hbm4b:s14+s3], $0x80, $0x38;
	[tilespmem:$0x1200] =	vst v63  }
0x3b: {  	s16 =	sadd.s32 $0x20, s5;
	s17 =	simm.s32 $0x580  }
0x3c: {  	[tilespmem:s17], [sflag:$0x4] =	stream.linear.gather [hbm4b:s16+s3], $0x80, $0x38;
	[tilespmem:$0x1200] =	vst v63  }
0x3d: {  	s18 =	sadd.s32 $0x30, s5;
	s19 =	simm.s32 $0x780  }
0x3e: {  	[tilespmem:s19], [sflag:$0x4] =	stream.linear.gather [hbm4b:s18+s3], $0x80, $0x38;
	[tilespmem:$0x1200] =	vst v63  }
0x3f: {  	s20 =	sadd.s32 $0x40, s5;
	s21 =	simm.s32 $0x980  }
0x40: {  	[tilespmem:s21], [sflag:$0x4] =	stream.linear.gather [hbm4b:s20+s3], $0x80, $0x38;
	[tilespmem:$0x1200] =	vst v63  }
0x41: {  	s22 =	sadd.s32 $0x50, s5;
	s23 =	simm.s32 $0xB80  }
0x42: {  	[tilespmem:s23], [sflag:$0x4] =	stream.linear.gather [hbm4b:s22+s3], $0x80, $0x38;
	[tilespmem:$0x1200] =	vst v63  }
0x43: {  	s24 =	sadd.s32 $0x60, s5;
	s25 =	simm.s32 $0xD80  }
0x44: {  	[tilespmem:s25], [sflag:$0x4] =	stream.linear.gather [hbm4b:s24+s3], $0x80, $0x38;
	[tilespmem:$0x1200] =	vst v63  }
0x45: {  	s26 =	simm.s32 $0xF80;
	s5 =	sadd.s32 $0x70, s5  }
0x46: {  	v0 =	vimm.f32 $0.0e+00;
	[tilespmem:s26], [sflag:$0x4] =	stream.linear.gather [hbm4b:s5+s3], $0x80, $0x38;
	[tilespmem:$0x1200] =	vst v63  }
0x47: {  	[tilespmem:$0x1000] =	vst v0  }
0x48: {  	[tilespmem:$0x1010] =	vst v0  }
0x49: {  	[tilespmem:$0x1020] =	vst v0  }
0x4a: {  	[tilespmem:$0x1030] =	vst v0  }
0x4b: {  	[tilespmem:$0x1040] =	vst v0  }
0x4c: {  	[tilespmem:$0x1050] =	vst v0  }
0x4d: {  	[tilespmem:$0x1060] =	vst v0  }
0x4e: {  	[tilespmem:$0x1070] =	vst v0  }
0x4f: {  	[tilespmem:$0x1080] =	vst v0  }
0x50: {  	[tilespmem:$0x1090] =	vst v0  }
0x51: {  	[tilespmem:$0x10A0] =	vst v0  }
0x52: {  	[tilespmem:$0x10B0] =	vst v0  }
0x53: {  	[tilespmem:$0x10C0] =	vst v0  }
0x54: {  	[tilespmem:$0x10D0] =	vst v0  }
0x55: {  	[tilespmem:$0x10E0] =	vst v0  }
0x56: {  	[tilespmem:$0x10F0] =	vst v0  }
0x57: {  	[tilespmem:$0x1100] =	vst v0  }
0x58: {  	[tilespmem:$0x1110] =	vst v0  }
0x59: {  	[tilespmem:$0x1120] =	vst v0  }
0x5a: {  	[tilespmem:$0x1130] =	vst v0  }
0x5b: {  	[tilespmem:$0x1140] =	vst v0  }
0x5c: {  	[tilespmem:$0x1150] =	vst v0  }
0x5d: {  	[tilespmem:$0x1160] =	vst v0  }
0x5e: {  	[tilespmem:$0x1170] =	vst v0  }
0x5f: {  	[tilespmem:$0x1180] =	vst v0  }
0x60: {  	[tilespmem:$0x1190] =	vst v0  }
0x61: {  	[tilespmem:$0x11A0] =	vst v0  }
0x62: {  	[tilespmem:$0x11B0] =	vst v0  }
0x63: {  	[tilespmem:$0x11C0] =	vst v0  }
0x64: {  	[tilespmem:$0x11D0] =	vst v0  }
0x65: {  	[tilespmem:$0x11E0] =	vst v0  }
0x66: {  	s28 =	simm.s32 $0x1;
	[tilespmem:$0x11F0] =	vst v0  }
0x67: {  	_ =	swait.ge [sflag:s28], $0x400  }
0x68: {  	[sflag:s28] =	ssyncset.done $0x0  }
0x69: {  	s29 =	simm.s32 $0x2;
	[sflag:s28] =	ssyncadd.s32 $0xFFFFFC00  }
0x6a: {  	_ =	swait.ge [sflag:s29], $0x400  }
0x6b: {  	[sflag:s29] =	ssyncset.done $0x0  }
0x6c: {  	s30 =	simm.s32 $0x3;
	[sflag:s29] =	ssyncadd.s32 $0xFFFFFC00  }
0x6d: {  	_ =	swait.ge [sflag:s30], $0x400  }
0x6e: {  	[sflag:s30] =	ssyncset.done $0x0  }
0x6f: {  	s31 =	simm.s32 $0x4;
	[sflag:s30] =	ssyncadd.s32 $0xFFFFFC00  }
0x70: {  	_ =	swait.ge [sflag:s31], $0x400  }
0x71: {  	p0 =	por $0x0, $0x0;
	s4 =	sadd.s32 $0x1000, s4;
	[sflag:s31] =	ssyncset.done $0x0  }
0x72: {  	v1 =	vimm.s32 $0x0;
	s6 =	simm.s32 $0x0;
	s5 =	simm.s32 $0x1000;
	v0 =	vimm.f32 $1.000000000e+00;
	[sflag:s31] =	ssyncadd.s32 $0xFFFFFC00  }
.LBB2_1:
0x73: {  	s7 =	sand.u32 $0x40, s6;
	s8 =	sand.u32 $0xE00, s3  }
0x74: {  	s7 =	sor.u32 s7, s8  }
0x75: {  	v2 =	vld [tilespmem:s7+$0x0];
	_ =	sdelay $0x7  }
0x76: {  	[tilespmem:v2+s5+$0x0] =	vst.idx.add.f32.msk $0xffff, v0  }
0x77: {  	v2 =	vld [tilespmem:s7+$0x80];
	_ =	sdelay $0x4  }
0x78: {  	v2 =	vadd.s32 $0x80, v2  }
0x79: {  	s8 =	simm.s32 $0x1  }
0x7a: {  	s8 =	simm.s32 @!p0 $0x0  }
0x7b: {  	s8 =	sshll.u32 s8, $0x6  }
0x7c: {  	s8 =	sadd.s32 s8, s3  }
0x7d: {  	s9 =	sor.u32 $0x100, s8;
	[tilespmem:v2+s5+$0x0] =	vst.idx.add.f32.msk $0xffff, v0  }
0x7e: {  	v2 =	vld [tilespmem:s9+$0x0];
	_ =	sdelay $0x4  }
0x7f: {  	v2 =	vadd.s32 $0x100, v2;
	_ =	sdelay $0x4  }
0x80: {  	[tilespmem:v2+s5+$0x0] =	vst.idx.add.f32.msk $0xffff, v0  }
0x81: {  	v2 =	vld [tilespmem:s7+$0x10];
	_ =	sdelay $0x5  }
0x82: {  	s26 =	sor.u32 $0x180, s8  }
0x83: {  	v3 =	vld [tilespmem:s26+$0x0]  }
0x84: {  	[tilespmem:v2+s5+$0x0] =	vst.idx.add.f32.msk $0xffff, v0  }
0x85: {  	v2 =	vld [tilespmem:s7+$0x90];
	_ =	sdelay $0x4  }
0x86: {  	v2 =	vadd.s32 $0x80, v2;
	_ =	sdelay $0x3  }
0x87: {  	s28 =	sadd.s32 $0x10, s8  }
0x88: {  	s10 =	sor.u32 $0x100, s28;
	[tilespmem:v2+s5+$0x0] =	vst.idx.add.f32.msk $0xffff, v0  }
0x89: {  	v2 =	vld [tilespmem:s10+$0x0];
	_ =	sdelay $0x4  }
0x8a: {  	v2 =	vadd.s32 $0x100, v2;
	_ =	sdelay $0x4  }
0x8b: {  	[tilespmem:v2+s5+$0x0] =	vst.idx.add.f32.msk $0xffff, v0  }
0x8c: {  	v2 =	vld [tilespmem:s7+$0x20];
	_ =	sdelay $0x5  }
0x8d: {  	s9 =	sor.u32 $0x180, s28  }
0x8e: {  	v4 =	vld [tilespmem:s9+$0x0]  }
0x8f: {  	[tilespmem:v2+s5+$0x0] =	vst.idx.add.f32.msk $0xffff, v0  }
0x90: {  	v2 =	vld [tilespmem:s7+$0xA0];
	_ =	sdelay $0x4  }
0x91: {  	v2 =	vadd.s32 $0x80, v2;
	_ =	sdelay $0x3  }
0x92: {  	s29 =	sadd.s32 $0x20, s8  }
0x93: {  	s30 =	sor.u32 $0x100, s29;
	[tilespmem:v2+s5+$0x0] =	vst.idx.add.f32.msk $0xffff, v0  }
0x94: {  	v2 =	vld [tilespmem:s30+$0x0];
	_ =	sdelay $0x4  }
0x95: {  	v2 =	vadd.s32 $0x100, v2;
	_ =	sdelay $0x4  }
0x96: {  	[tilespmem:v2+s5+$0x0] =	vst.idx.add.f32.msk $0xffff, v0  }
0x97: {  	v2 =	vld [tilespmem:s7+$0x30];
	_ =	sdelay $0x5  }
0x98: {  	s9 =	sor.u32 $0x180, s29  }
0x99: {  	v5 =	vld [tilespmem:s9+$0x0]  }
0x9a: {  	[tilespmem:v2+s5+$0x0] =	vst.idx.add.f32.msk $0xffff, v0  }
0x9b: {  	v2 =	vld [tilespmem:s7+$0xB0];
	_ =	sdelay $0x4  }
0x9c: {  	v2 =	vadd.s32 $0x80, v2;
	_ =	sdelay $0x3  }
0x9d: {  	s31 =	sadd.s32 $0x30, s8  }
0x9e: {  	s8 =	sor.u32 $0x100, s31;
	[tilespmem:v2+s5+$0x0] =	vst.idx.add.f32.msk $0xffff, v0  }
0x9f: {  	v2 =	vld [tilespmem:s8+$0x0];
	_ =	sdelay $0x4  }
0xa0: {  	v2 =	vadd.s32 $0x100, v2;
	_ =	sdelay $0x4  }
0xa1: {  	s7 =	sor.u32 $0x180, s31;
	[tilespmem:v2+s5+$0x0] =	vst.idx.add.f32.msk $0xffff, v0  }
0xa2: {  	p1 =	sne.s32 s6, $0x3C0;
	v2 =	vld [tilespmem:s7+$0x0]  }
.Ltmp0:
0xa3: {  	_ = 	snop;
	(pc) =	sbr.rel @p1 .LBB2_1-.Ltmp0, $4  }
0xa4: {  	v1 =	vadd.s32 v1, v3  }
0xa5: {  	v1 =	vadd.s32 v4, v1  }
0xa6: {  	v1 =	vadd.s32 v5, v1  }
0xa7: {  	s6 =	sadd.s32 $0x40, s6;
	p0 =	por !p0, !p0;
	s3 =	sadd.s32 $0x100, s3;
	v1 =	vadd.s32 v2, v1  }
0xa8: {  	(xrf0) =	vadd.scan.msk.s32 $0xffff, v1;
	_ =	sdelay $0x5  }
0xa9: {  	v0, _, _ =	vpop (xrf0)  }
0xaa: {  	(v2sf) =	vpush v0, $0xF;
	_ =	sdelay $0xe  }
0xab: {  	s3 =	spop (v2sf)  }
0xac: {  	s3 =	scvt.s32.f32 s3;
	_ =	sdelay $0x1  }
0xad: {  	s6 =	ssub.f32 $1.024000000e+03, s3  }
0xae: {  	s5 =	sshll.u32 s1, $0x9  }
0xaf: {  	s2 =	sand.u32 $0x380, s2;
	vm0 =	vcmask $0x300;
	s5 =	sand.u32 $0x1000, s5;
	v63 =	vmov s6  }
0xb0: {  	vm15 =	vcmask $0x704;
	s2 =	sor.u32 s2, s5;
	v0 =	vnsel vm0, $0x0, v63  }
0xb1: {  	s28 =	simm.s32 $0x80;
	s29 =	simm.s32 $0x400;
	s2 =	sshrl.u32 s2, $0x3;
	v0 =	vsel vm15, s3, v0  }
0xb2: {  	s30 =	simm.s32 $0x1000;
	s31 =	simm.s32 $0x5;
	s2 =	sadd.s32 s4, s2;
	[tilespmem:$0x1180] =	vst v0  }
0xb3: {  	[hbm4b:s2+s28] =	stream.strided.scatter [tilespmem:s30], [sflag:$0x5], $0x200, s29, s28, $0x38;
	[tilespmem:$0x1200] =	vst v63  }
0xb4: {  	_ =	swait.ge [sflag:s31], $0x200  }
0xb5: {  	[sflag:s31] =	ssyncset.done $0x0  }
0xb6: {  	[sflag:s31] =	ssyncadd.s32 $0xFFFFFE00  }
0xb7: {  	_ =	sfence.sel $0x180000  }
0xb8: {  	[bflag:$0x0] =	sbarrier.arrive $0xFFFF  }
0xb9: {  	p0 =	sne.s32 s1, $0x0;
	_ =	strace $0x90000047  }
0xba: {  	s0 =	sadd.s32 @!p0 $0x100000, s0;
	[bflag:$0x2] =	sbarrier.arrive $0xFFFF  }
0xbb: {  	[sflag:s0] =	ssyncadd.tile.s32 @!p0 $0x1;
	_ =	shalt  }
.Lfunc_end2:
_tile_overlayer_lowered:
.L_overlay_start_2:
0xbc: {  	(tag) =	ssettag $0x2  }
0xbd: {  	s0 =	rddreg [dreg:$0x0];
	s2 =	stileid.u32  }
0xbe: {  	s1 =	rddreg [dreg:$0x1];
	p0 =	sne.s32 s2, $0x0  }
0xbf: {  	s3 =	rddreg [dreg:$0x2];
	[bflag:$0x3] =	sbarrier.arrive $0xFFFF;
	s2 =	simm.s32 @!p0 $0x1C05  }
0xc0: {  	[timem:s3], [sflag:s2] =	dma.local @!p0 [hbm:s0], s1  }
0xc1: {  	s0 =	simm.s32 @!p0 $0x5  }
0xc2: {  	_ =	swait.ge @!p0 [sflag:s0], s1  }
0xc3: {  	s1 =	ssub.s32 @!p0 $0x0, s1;
	[sflag:s0] =	ssyncset.done @!p0 $0x0  }
0xc4: {  	[sflag:s0] =	ssyncadd.s32 @!p0 s1  }
0xc5: {  	[bflag:$0x3] =	sbarrier.arrive $0xFFFF  }
0xc6: {  	_ =	shalt  }

</sc_bundles>
